<compile_context>
chip_gen: v7x
topology: tpu7x:2x2x1
jax: 0.10.2.dev20260603
libtpu: 0.0.44.dev20260713+nightly
codegen_flags: <defaults>
</compile_context>

<pallas_src>
import dataclasses

import jax
import jax.numpy as jnp
from jax import lax
from jax.experimental import pallas as pl
from jax.experimental.pallas import tpu as pltpu
from jax.experimental.pallas import tpu_sc as plsc

N = 10000
NPAD = 10240
E = 320000
D = 128

NC = 2
NS = 16
NW = NC * NS

EPT = 9984
EPT_LAST = E - EPT * (NW - 1)
CH = 64
CPT = EPT // CH
CPT_LAST = EPT_LAST // CH
NBUF = 4
ROWS_PER_TILE = NPAD // NS

_mesh = plsc.VectorSubcoreMesh(core_axis_name="c", subcore_axis_name="s")

_sc_params = pltpu.CompilerParams()
if "needs_layout_passes" in pltpu.CompilerParams.__dataclass_fields__:
    _sc_params = dataclasses.replace(_sc_params, needs_layout_passes=False)


def _hist_body(ei_hbm, dego_hbm, degi_hbm, pk_hbm,
               idx_sd, pk_v, ho_v, hi_v, sem):
    cid = lax.axis_index("c")
    sid = lax.axis_index("s")
    wid = sid * NC + cid

    zeros16 = jnp.zeros((16,), jnp.float32)
    ones16 = jnp.ones((16,), jnp.float32)
    sixteen = jnp.full((16,), 16, jnp.int32)

    base = wid * EPT
    pltpu.async_copy(ei_hbm.at[:, pl.ds(base, EPT_LAST)], idx_sd, sem)

    @pl.loop(0, NPAD // 64)
    def _zero(i):
        for q in range(4):
            ho_v[pl.ds(i * 64 + q * 16, 16)] = zeros16
            hi_v[pl.ds(i * 64 + q * 16, 16)] = zeros16

    pltpu.make_async_copy(ei_hbm.at[:, pl.ds(base, EPT_LAST)], idx_sd, sem).wait()

    nvec = jnp.where(wid == NW - 1, EPT_LAST // 32, EPT // 32)

    @pl.loop(0, nvec)
    def _accum(i):
        for q in range(2):
            s = idx_sd[0, pl.ds(i * 32 + q * 16, 16)]
            d = idx_sd[1, pl.ds(i * 32 + q * 16, 16)]
            plsc.addupdate_scatter(ho_v, [s], ones16)
            plsc.addupdate_scatter(hi_v, [d], ones16)
            pk_v[pl.ds(i * 32 + q * 16, 16)] = jnp.bitwise_or(
                s, lax.shift_left(d, sixteen))

    pltpu.sync_copy(pk_v, pk_hbm.at[wid])
    pltpu.sync_copy(ho_v, dego_hbm.at[wid])
    pltpu.sync_copy(hi_v, degi_hbm.at[wid])


@jax.jit
def _sc_hist(ei):
    k = pl.kernel(
        _hist_body,
        out_type=(
            jax.ShapeDtypeStruct((NW, NPAD), jnp.float32),
            jax.ShapeDtypeStruct((NW, NPAD), jnp.float32),
            jax.ShapeDtypeStruct((NW, EPT_LAST), jnp.int32),
        ),
        mesh=_mesh,
        scratch_types=[
            pltpu.VMEM((2, EPT_LAST), jnp.int32),
            pltpu.VMEM((EPT_LAST,), jnp.int32),
            pltpu.VMEM((NPAD,), jnp.float32),
            pltpu.VMEM((NPAD,), jnp.float32),
            pltpu.SemaphoreType.DMA,
        ],
        compiler_params=_sc_params,
    )
    return k(ei)


def _agg_body(h_hbm, pk_hbm, out_hbm,
              pkb, r0, r1, r2, r3, su0, su1, su2, su3, du0, du1, du2, du3,
              agg_sh, g0, g1, g2, g3, s0, s1, s2, s3):
    cid = lax.axis_index("c")
    sid = lax.axis_index("s")
    wid = sid * NC + cid

    rows = (r0, r1, r2, r3)
    src_u = (su0, su1, su2, su3)
    dst_u = (du0, du1, du2, du3)
    gsem = (g0, g1, g2, g3)
    ssem = (s0, s1, s2, s3)

    zeros16 = jnp.zeros((16,), jnp.float32)
    mask16 = jnp.full((16,), 0xFFFF, jnp.int32)
    sixteen = jnp.full((16,), 16, jnp.int32)

    def unpack_src(c, p):
        for k8 in range(CH // 16):
            v = pkb[pl.ds(c * CH + k8 * 16, 16)]
            src_u[p][pl.ds(k8 * 16, 16)] = jnp.bitwise_and(v, mask16)

    def unpack_dst(c, p):
        for k8 in range(CH // 16):
            v = pkb[pl.ds(c * CH + k8 * 16, 16)]
            dst_u[p][pl.ds(k8 * 16, 16)] = lax.shift_right_logical(v, sixteen)

    def unpack(c, p):
        unpack_src(c, p)
        unpack_dst(c, p)

    pltpu.sync_copy(pk_hbm.at[wid], pkb)

    for p in range(NBUF):
        unpack(p, p)
    for p in range(1, NBUF):
        pltpu.async_copy(h_hbm.at[src_u[p]], rows[p], gsem[p])

    @pl.loop(0, CH)
    def _zero(r):
        for k8 in range(D // 16):
            r0[r, pl.ds(k8 * 16, 16)] = zeros16

    row0 = sid * ROWS_PER_TILE
    for j in range(ROWS_PER_TILE // CH):
        pltpu.async_copy(r0, agg_sh.at[pl.ds(row0 + j * CH, CH)], s0)
    for j in range(ROWS_PER_TILE // CH):
        pltpu.make_async_copy(r0, agg_sh.at[pl.ds(row0 + j * CH, CH)], s0).wait()

    pltpu.async_copy(h_hbm.at[src_u[0]], rows[0], gsem[0])

    plsc.subcore_barrier()

    def wait_gather(p):
        pltpu.make_async_copy(h_hbm.at[src_u[p]], rows[p], gsem[p]).wait()

    def start_scatter(p):
        pltpu.async_copy(rows[p], agg_sh.at[dst_u[p]], ssem[p], add=True)

    def wait_scatter(p):
        pltpu.make_async_copy(rows[p], agg_sh.at[dst_u[p]], ssem[p]).wait()

    units = jnp.where(wid == NW - 1, CPT_LAST // NBUF, CPT // NBUF)

    @pl.loop(0, units - 1)
    def _unit(j):
        u = j * NBUF
        for p in range(NBUF):
            wait_gather(p)
            start_scatter(p)
            unpack_src(u + NBUF + p, p)
        for p in range(NBUF):
            wait_scatter(p)
            pltpu.async_copy(h_hbm.at[src_u[p]], rows[p], gsem[p])
            unpack_dst(u + NBUF + p, p)

    for p in range(NBUF):
        wait_gather(p)
        start_scatter(p)
    for p in range(NBUF):
        wait_scatter(p)

    plsc.subcore_barrier()

    pltpu.sync_copy(agg_sh.at[pl.ds(row0, ROWS_PER_TILE)],
                    out_hbm.at[cid, pl.ds(row0, ROWS_PER_TILE)])


@jax.jit
def _sc_agg(h, packed):
    k = pl.kernel(
        _agg_body,
        out_type=jax.ShapeDtypeStruct((NC, NPAD, D), jnp.float32),
        mesh=_mesh,
        scratch_types=[
            pltpu.VMEM((EPT_LAST,), jnp.int32),
            pltpu.VMEM((CH, D), jnp.float32),
            pltpu.VMEM((CH, D), jnp.float32),
            pltpu.VMEM((CH, D), jnp.float32),
            pltpu.VMEM((CH, D), jnp.float32),
            pltpu.VMEM((CH,), jnp.int32),
            pltpu.VMEM((CH,), jnp.int32),
            pltpu.VMEM((CH,), jnp.int32),
            pltpu.VMEM((CH,), jnp.int32),
            pltpu.VMEM((CH,), jnp.int32),
            pltpu.VMEM((CH,), jnp.int32),
            pltpu.VMEM((CH,), jnp.int32),
            pltpu.VMEM((CH,), jnp.int32),
            pltpu.VMEM_SHARED((NPAD, D), jnp.float32),
            pltpu.SemaphoreType.DMA,
            pltpu.SemaphoreType.DMA,
            pltpu.SemaphoreType.DMA,
            pltpu.SemaphoreType.DMA,
            pltpu.SemaphoreType.DMA,
            pltpu.SemaphoreType.DMA,
            pltpu.SemaphoreType.DMA,
            pltpu.SemaphoreType.DMA,
        ],
        compiler_params=_sc_params,
    )
    return k(h, packed)


BLK = 2560


def _mm_body(x_ref, w_ref, degp_ref, o_ref):
    deg = jnp.sum(degp_ref[...], axis=0)
    norm = lax.rsqrt(jnp.maximum(deg, 1.0))
    z = jnp.dot(x_ref[...], w_ref[...],
                preferred_element_type=jnp.float32)
    o_ref[...] = z * norm[:, None]


@jax.jit
def _tc_matmul_scale(x, w, degp):
    return pl.pallas_call(
        _mm_body,
        out_shape=jax.ShapeDtypeStruct((NPAD, D), jnp.float32),
        grid=(NPAD // BLK,),
        in_specs=[
            pl.BlockSpec((BLK, D), lambda i: (i, 0)),
            pl.BlockSpec((D, D), lambda i: (0, 0)),
            pl.BlockSpec((NW, BLK), lambda i: (0, i)),
        ],
        out_specs=pl.BlockSpec((BLK, D), lambda i: (i, 0)),
    )(x, w, degp)


def _post_body(p_ref, degp_ref, b_ref, o_ref):
    deg = jnp.sum(degp_ref[...], axis=0)
    norm = lax.rsqrt(jnp.maximum(deg, 1.0))
    agg = p_ref[0] + p_ref[1]
    o_ref[...] = agg * norm[:, None] + b_ref[...][None, :]


@jax.jit
def _tc_post(p, degp, b):
    return pl.pallas_call(
        _post_body,
        out_shape=jax.ShapeDtypeStruct((N, D), jnp.float32),
        grid=(NPAD // BLK,),
        in_specs=[
            pl.BlockSpec((NC, BLK, D), lambda i: (0, i, 0)),
            pl.BlockSpec((NW, BLK), lambda i: (0, i)),
            pl.BlockSpec((D,), lambda i: (0,)),
        ],
        out_specs=pl.BlockSpec((BLK, D), lambda i: (i, 0)),
    )(p, degp, b)


def kernel(ndata, edge_index, W, b):
    ei = edge_index.astype(jnp.int32)
    dego_p, degi_p, packed = _sc_hist(ei)
    h = _tc_matmul_scale(ndata, W, dego_p)
    p = _sc_agg(h, packed)
    return _tc_post(p, degi_p, b)

# --- scband reference (transcript-rebuilt; emitter-appended) ---
"""Pipeline reference for scband-gcnblock-70600672411872 (READ-ONLY COPY).

The authoritative reference and input builder live on the scoring server;
editing this copy changes nothing except your own understanding.
"""

import jax, jax.numpy as jnp
import numpy as np

N = 10000
E = 320000
D_IN = 128
D_OUT = 128

def setup_inputs(seed: int = 0) -> dict:
    key = jax.random.key(seed)
    k1, k2, k3 = jax.random.split(key, 3)
    ndata = jax.random.normal(k1, (N, D_IN), dtype=jnp.float32)
    edge_index = jax.random.randint(k2, (2, E), 0, N, dtype=jnp.int64)
    # GraphConv weight (in_feats, out_feats), glorot init; bias zeros
    std = float(np.sqrt(2.0 / (D_IN + D_OUT)))
    W = jax.random.normal(k3, (D_IN, D_OUT), dtype=jnp.float32) * std
    b = jnp.zeros((D_OUT,), dtype=jnp.float32)
    return {"ndata": ndata, "edge_index": edge_index, "W": W, "b": b}

def reference(ndata, edge_index, W, b):
    # Faithful DGL GraphConv with norm='both', allow_zero_in_degree=True:
    #   h = D_in^{-1/2} * A * (D_out^{-1/2} * X) ; out = h @ W + b
    src = edge_index[0]
    dst = edge_index[1]
    ones = jnp.ones((E,), dtype=jnp.float32)
    deg_out = jax.ops.segment_sum(ones, src, num_segments=N)
    deg_in = jax.ops.segment_sum(ones, dst, num_segments=N)
    deg_out = jnp.clip(deg_out, 1.0, None)
    deg_in = jnp.clip(deg_in, 1.0, None)
    norm_src = jax.lax.rsqrt(deg_out)
    norm_dst = jax.lax.rsqrt(deg_in)
    h = ndata * norm_src[:, None]
    msg = jnp.take(h, src, axis=0)
    agg = jax.ops.segment_sum(msg, dst, num_segments=N)
    agg = agg * norm_dst[:, None]
    out = agg @ W + b
    return out

if __name__ == "__main__":
    import jax
    _d = setup_inputs()
    print(jax.jit(kernel)(*tuple(_d.values())))

</pallas_src>

<mosaic_0001>
#map = affine_map<(d0, d1) -> (0, 0)>
module attributes {stable_mosaic.version = 14 : i64} {
  func.func @_hist_body(%arg0: i32, %arg1: i32, %arg2: memref<2x320000xi32, #tpu.memory_space<hbm>>, %arg3: memref<32x10240xf32, #tpu.memory_space<hbm>>, %arg4: memref<32x10240xf32, #tpu.memory_space<hbm>>, %arg5: memref<32x10496xi32, #tpu.memory_space<hbm>>, %arg6: memref<2x10496xi32, #tpu.memory_space<vmem>>, %arg7: memref<10496xi32, #tpu.memory_space<vmem>>, %arg8: memref<10240xf32, #tpu.memory_space<vmem>>, %arg9: memref<10240xf32, #tpu.memory_space<vmem>>, %arg10: memref<!tpu.dma_semaphore, #tpu.memory_space<semaphore_mem>>) attributes {dimension_semantics = [#tpu.dimension_semantics<core_parallel>, #tpu.dimension_semantics<subcore_parallel>], iteration_bounds = array<i64: 2, 16>, scalar_prefetch = 0 : i64, scratch_operands = 5 : i64, tpu.core_type = #tpu.core_type<sc_vector_subcore>, window_params = [{transform_indices = #map}, {transform_indices = #map}, {transform_indices = #map}, {transform_indices = #map}]} {
    %mul3A = arith.constant 2 : i32
    %mul3A_0 = arith.muli %arg1, %mul3A : i32
    %add3A = arith.addi %mul3A_0, %arg0 : i32
    %broadcast_in_dim3A = arith.constant 0.000000e+00 : f32
    %broadcast_in_dim3A_1 = vector.broadcast %broadcast_in_dim3A : f32 to vector<16xf32>
    %broadcast_in_dim3A_2 = arith.constant 1.000000e+00 : f32
    %broadcast_in_dim3A_3 = vector.broadcast %broadcast_in_dim3A_2 : f32 to vector<16xf32>
    %broadcast_in_dim3A_4 = arith.constant 16 : i32
    %broadcast_in_dim3A_5 = vector.broadcast %broadcast_in_dim3A_4 : i32 to vector<16xi32>
    %mul3A_6 = arith.constant 9984 : i32
    %mul3A_7 = arith.muli %add3A, %mul3A_6 : i32
    %dma_start3A = arith.constant 0 : i32
    %dma_start3A_8 = tpu.memref_slice %arg2[%dma_start3A, %mul3A_7] : memref<2x320000xi32, #tpu.memory_space<hbm>> -> memref<2x10496xi32, #tpu.memory_space<hbm>>
    %dma_start3A_9 = arith.constant 0 : i32
    %dma_start3A_10 = tpu.memref_slice %arg2[%dma_start3A_9, %mul3A_7] : memref<2x320000xi32, #tpu.memory_space<hbm>> -> memref<2x10496xi32, #tpu.memory_space<hbm>>
    tpu.enqueue_dma source(%dma_start3A_10 : memref<2x10496xi32, #tpu.memory_space<hbm>>) target(%arg6 : memref<2x10496xi32, #tpu.memory_space<vmem>>) target_semaphore(%arg10 : memref<!tpu.dma_semaphore, #tpu.memory_space<semaphore_mem>>)
    %scan3A = arith.constant 0 : i32
    %scan3A_11 = arith.constant 160 : i32
    %scan3A_12 = arith.addi %scan3A, %scan3A_11 : i32
    %scan3A_13 = arith.constant 1 : i32
    scf.for %scan3A_36 = %scan3A to %scan3A_12 step %scan3A_13  : i32 {
      %mul3A_37 = arith.constant 1 : i32
      %mul3A_38 = arith.muli %scan3A_36, %mul3A_37 : i32
      %add3A_39 = arith.constant 0 : i32
      %add3A_40 = arith.addi %add3A_39, %mul3A_38 : i32
      %mul3A_41 = arith.constant 64 : i32
      %mul3A_42 = arith.muli %add3A_40, %mul3A_41 : i32
      %add3A_43 = arith.constant 0 : i32
      %add3A_44 = arith.addi %mul3A_42, %add3A_43 : i32
      %swap3A = arith.index_cast %add3A_44 : i32 to index
      %swap3A_45 = tpu.vector_load %arg8[%swap3A] {strides = array<i32>} : memref<10240xf32, #tpu.memory_space<vmem>>, vector<16xf32>,
      tpu.vector_store %arg8[%swap3A], %broadcast_in_dim3A_1 {strides = array<i32>} : memref<10240xf32, #tpu.memory_space<vmem>>, vector<16xf32>,
      %mul3A_46 = arith.constant 64 : i32
      %mul3A_47 = arith.muli %add3A_40, %mul3A_46 : i32
      %add3A_48 = arith.constant 0 : i32
      %add3A_49 = arith.addi %mul3A_47, %add3A_48 : i32
      %swap3A_50 = arith.index_cast %add3A_49 : i32 to index
      %swap3A_51 = tpu.vector_load %arg9[%swap3A_50] {strides = array<i32>} : memref<10240xf32, #tpu.memory_space<vmem>>, vector<16xf32>,
      tpu.vector_store %arg9[%swap3A_50], %broadcast_in_dim3A_1 {strides = array<i32>} : memref<10240xf32, #tpu.memory_space<vmem>>, vector<16xf32>,
      %mul3A_52 = arith.constant 64 : i32
      %mul3A_53 = arith.muli %add3A_40, %mul3A_52 : i32
      %add3A_54 = arith.constant 16 : i32
      %add3A_55 = arith.addi %mul3A_53, %add3A_54 : i32
      %swap3A_56 = arith.index_cast %add3A_55 : i32 to index
      %swap3A_57 = tpu.vector_load %arg8[%swap3A_56] {strides = array<i32>} : memref<10240xf32, #tpu.memory_space<vmem>>, vector<16xf32>,
      tpu.vector_store %arg8[%swap3A_56], %broadcast_in_dim3A_1 {strides = array<i32>} : memref<10240xf32, #tpu.memory_space<vmem>>, vector<16xf32>,
      %mul3A_58 = arith.constant 64 : i32
      %mul3A_59 = arith.muli %add3A_40, %mul3A_58 : i32
      %add3A_60 = arith.constant 16 : i32
      %add3A_61 = arith.addi %mul3A_59, %add3A_60 : i32
      %swap3A_62 = arith.index_cast %add3A_61 : i32 to index
      %swap3A_63 = tpu.vector_load %arg9[%swap3A_62] {strides = array<i32>} : memref<10240xf32, #tpu.memory_space<vmem>>, vector<16xf32>,
      tpu.vector_store %arg9[%swap3A_62], %broadcast_in_dim3A_1 {strides = array<i32>} : memref<10240xf32, #tpu.memory_space<vmem>>, vector<16xf32>,
      %mul3A_64 = arith.constant 64 : i32
      %mul3A_65 = arith.muli %add3A_40, %mul3A_64 : i32
      %add3A_66 = arith.constant 32 : i32
      %add3A_67 = arith.addi %mul3A_65, %add3A_66 : i32
      %swap3A_68 = arith.index_cast %add3A_67 : i32 to index
      %swap3A_69 = tpu.vector_load %arg8[%swap3A_68] {strides = array<i32>} : memref<10240xf32, #tpu.memory_space<vmem>>, vector<16xf32>,
      tpu.vector_store %arg8[%swap3A_68], %broadcast_in_dim3A_1 {strides = array<i32>} : memref<10240xf32, #tpu.memory_space<vmem>>, vector<16xf32>,
      %mul3A_70 = arith.constant 64 : i32
      %mul3A_71 = arith.muli %add3A_40, %mul3A_70 : i32
      %add3A_72 = arith.constant 32 : i32
      %add3A_73 = arith.addi %mul3A_71, %add3A_72 : i32
      %swap3A_74 = arith.index_cast %add3A_73 : i32 to index
      %swap3A_75 = tpu.vector_load %arg9[%swap3A_74] {strides = array<i32>} : memref<10240xf32, #tpu.memory_space<vmem>>, vector<16xf32>,
      tpu.vector_store %arg9[%swap3A_74], %broadcast_in_dim3A_1 {strides = array<i32>} : memref<10240xf32, #tpu.memory_space<vmem>>, vector<16xf32>,
      %mul3A_76 = arith.constant 64 : i32
      %mul3A_77 = arith.muli %add3A_40, %mul3A_76 : i32
      %add3A_78 = arith.constant 48 : i32
      %add3A_79 = arith.addi %mul3A_77, %add3A_78 : i32
      %swap3A_80 = arith.index_cast %add3A_79 : i32 to index
      %swap3A_81 = tpu.vector_load %arg8[%swap3A_80] {strides = array<i32>} : memref<10240xf32, #tpu.memory_space<vmem>>, vector<16xf32>,
      tpu.vector_store %arg8[%swap3A_80], %broadcast_in_dim3A_1 {strides = array<i32>} : memref<10240xf32, #tpu.memory_space<vmem>>, vector<16xf32>,
      %mul3A_82 = arith.constant 64 : i32
      %mul3A_83 = arith.muli %add3A_40, %mul3A_82 : i32
      %add3A_84 = arith.constant 48 : i32
      %add3A_85 = arith.addi %mul3A_83, %add3A_84 : i32
      %swap3A_86 = arith.index_cast %add3A_85 : i32 to index
      %swap3A_87 = tpu.vector_load %arg9[%swap3A_86] {strides = array<i32>} : memref<10240xf32, #tpu.memory_space<vmem>>, vector<16xf32>,
      tpu.vector_store %arg9[%swap3A_86], %broadcast_in_dim3A_1 {strides = array<i32>} : memref<10240xf32, #tpu.memory_space<vmem>>, vector<16xf32>,
    }
    %scan3A_14 = arith.constant 160 : i32
    %dma_wait3A = arith.constant 0 : i32
    %dma_wait3A_15 = tpu.memref_slice %arg2[%dma_wait3A, %mul3A_7] : memref<2x320000xi32, #tpu.memory_space<hbm>> -> memref<2x10496xi32, #tpu.memory_space<hbm>>
    %dma_wait3A_16 = arith.constant 0 : i32
    %dma_wait3A_17 = tpu.memref_slice %arg2[%dma_wait3A_16, %mul3A_7] : memref<2x320000xi32, #tpu.memory_space<hbm>> -> memref<2x10496xi32, #tpu.memory_space<hbm>>
    tpu.wait_dma2 semaphore(%arg10 : memref<!tpu.dma_semaphore, #tpu.memory_space<semaphore_mem>>) src(%dma_wait3A_17 : memref<2x10496xi32, #tpu.memory_space<hbm>>) dst(%arg6 : memref<2x10496xi32, #tpu.memory_space<vmem>>)
    %eq3A = arith.constant 31 : i32
    %eq3A_18 = arith.cmpi eq, %add3A, %eq3A : i32
    %jit3A = arith.constant 328 : i32
    %jit3A_19 = arith.constant 312 : i32
    %select_n3A = arith.select %eq3A_18, %jit3A, %jit3A_19 : i32
    %sub3A = arith.constant 0 : i32
    %sub3A_20 = arith.subi %select_n3A, %sub3A : i32
    %sub3A_21 = arith.constant 1 : i32
    %sub3A_22 = arith.constant 1 : i32
    %sub3A_23 = arith.subi %sub3A_21, %sub3A_22 : i32
    %add3A_24 = arith.addi %sub3A_20, %sub3A_23 : i32
    %div3A = arith.constant 1 : i32
    %div3A_25 = arith.divsi %add3A_24, %div3A : i32
    %while3A = arith.constant 1 : i32
    %while3A_26 = arith.constant 0 : i32
    %while3A_27 = arith.constant 0 : i32
    %while3A_28 = arith.subi %div3A_25, %while3A_27 : i32
    %while3A_29 = arith.addi %while3A_27, %while3A_28 : i32
    %while3A_30 = arith.constant 1 : i32
    %while3A_31 = arith.divsi %while3A_28, %while3A_30 : i32
    %while3A_32 = arith.muli %while3A_31, %while3A_30 : i32
    %while3A_33 = arith.addi %while3A_27, %while3A_32 : i32
    %while3A_34 = arith.constant 1 : i32
    scf.for %while3A_36 = %while3A_27 to %while3A_33 step %while3A_34  : i32 {
      %mul3A_37 = arith.muli %while3A_36, %while3A : i32
      %add3A_38 = arith.addi %while3A_26, %mul3A_37 : i32
      %mul3A_39 = arith.constant 32 : i32
      %mul3A_40 = arith.muli %add3A_38, %mul3A_39 : i32
      %add3A_41 = arith.constant 0 : i32
      %add3A_42 = arith.addi %mul3A_40, %add3A_41 : i32
      %get3A = arith.constant 0 : i32
      %get3A_43 = arith.index_cast %get3A : i32 to index
      %get3A_44 = arith.index_cast %add3A_42 : i32 to index
      %get3A_45 = tpu.vector_load %arg6[%get3A_43, %get3A_44] {strides = array<i32>} : memref<2x10496xi32, #tpu.memory_space<vmem>>, vector<16xi32>,
      %mul3A_46 = arith.constant 32 : i32
      %mul3A_47 = arith.muli %add3A_38, %mul3A_46 : i32
      %add3A_48 = arith.constant 0 : i32
      %add3A_49 = arith.addi %mul3A_47, %add3A_48 : i32
      %get3A_50 = arith.constant 1 : i32
      %get3A_51 = arith.index_cast %get3A_50 : i32 to index
      %get3A_52 = arith.index_cast %add3A_49 : i32 to index
      %get3A_53 = tpu.vector_load %arg6[%get3A_51, %get3A_52] {strides = array<i32>} : memref<2x10496xi32, #tpu.memory_space<vmem>>, vector<16xi32>,
      tpu.vector_store_idx %arg8[%get3A_45], %broadcast_in_dim3A_3 {add = true} : memref<10240xf32, #tpu.memory_space<vmem>>[vector<16xi32>], vector<16xf32>,
      tpu.vector_store_idx %arg9[%get3A_53], %broadcast_in_dim3A_3 {add = true} : memref<10240xf32, #tpu.memory_space<vmem>>[vector<16xi32>], vector<16xf32>,
      %shift_left3A = arith.shli %get3A_53, %broadcast_in_dim3A_5 : vector<16xi32>
      %or3A = arith.ori %get3A_45, %shift_left3A : vector<16xi32>
      %mul3A_54 = arith.constant 32 : i32
      %mul3A_55 = arith.muli %add3A_38, %mul3A_54 : i32
      %add3A_56 = arith.constant 0 : i32
      %add3A_57 = arith.addi %mul3A_55, %add3A_56 : i32
      %swap3A = arith.index_cast %add3A_57 : i32 to index
      %swap3A_58 = tpu.vector_load %arg7[%swap3A] {strides = array<i32>} : memref<10496xi32, #tpu.memory_space<vmem>>, vector<16xi32>,
      tpu.vector_store %arg7[%swap3A], %or3A {strides = array<i32>} : memref<10496xi32, #tpu.memory_space<vmem>>, vector<16xi32>,
      %mul3A_59 = arith.constant 32 : i32
      %mul3A_60 = arith.muli %add3A_38, %mul3A_59 : i32
      %add3A_61 = arith.constant 16 : i32
      %add3A_62 = arith.addi %mul3A_60, %add3A_61 : i32
      %get3A_63 = arith.constant 0 : i32
      %get3A_64 = arith.index_cast %get3A_63 : i32 to index
      %get3A_65 = arith.index_cast %add3A_62 : i32 to index
      %get3A_66 = tpu.vector_load %arg6[%get3A_64, %get3A_65] {strides = array<i32>} : memref<2x10496xi32, #tpu.memory_space<vmem>>, vector<16xi32>,
      %mul3A_67 = arith.constant 32 : i32
      %mul3A_68 = arith.muli %add3A_38, %mul3A_67 : i32
      %add3A_69 = arith.constant 16 : i32
      %add3A_70 = arith.addi %mul3A_68, %add3A_69 : i32
      %get3A_71 = arith.constant 1 : i32
      %get3A_72 = arith.index_cast %get3A_71 : i32 to index
      %get3A_73 = arith.index_cast %add3A_70 : i32 to index
      %get3A_74 = tpu.vector_load %arg6[%get3A_72, %get3A_73] {strides = array<i32>} : memref<2x10496xi32, #tpu.memory_space<vmem>>, vector<16xi32>,
      tpu.vector_store_idx %arg8[%get3A_66], %broadcast_in_dim3A_3 {add = true} : memref<10240xf32, #tpu.memory_space<vmem>>[vector<16xi32>], vector<16xf32>,
      tpu.vector_store_idx %arg9[%get3A_74], %broadcast_in_dim3A_3 {add = true} : memref<10240xf32, #tpu.memory_space<vmem>>[vector<16xi32>], vector<16xf32>,
      %shift_left3A_75 = arith.shli %get3A_74, %broadcast_in_dim3A_5 : vector<16xi32>
      %or3A_76 = arith.ori %get3A_66, %shift_left3A_75 : vector<16xi32>
      %mul3A_77 = arith.constant 32 : i32
      %mul3A_78 = arith.muli %add3A_38, %mul3A_77 : i32
      %add3A_79 = arith.constant 16 : i32
      %add3A_80 = arith.addi %mul3A_78, %add3A_79 : i32
      %swap3A_81 = arith.index_cast %add3A_80 : i32 to index
      %swap3A_82 = tpu.vector_load %arg7[%swap3A_81] {strides = array<i32>} : memref<10496xi32, #tpu.memory_space<vmem>>, vector<16xi32>,
      tpu.vector_store %arg7[%swap3A_81], %or3A_76 {strides = array<i32>} : memref<10496xi32, #tpu.memory_space<vmem>>, vector<16xi32>,
    }
    %while3A_35 = arith.constant 1 : i32
    scf.for %while3A_36 = %while3A_33 to %while3A_29 step %while3A_35  : i32 {
      %mul3A_37 = arith.muli %while3A_36, %while3A : i32
      %add3A_38 = arith.addi %while3A_26, %mul3A_37 : i32
      %mul3A_39 = arith.constant 32 : i32
      %mul3A_40 = arith.muli %add3A_38, %mul3A_39 : i32
      %add3A_41 = arith.constant 0 : i32
      %add3A_42 = arith.addi %mul3A_40, %add3A_41 : i32
      %get3A = arith.constant 0 : i32
      %get3A_43 = arith.index_cast %get3A : i32 to index
      %get3A_44 = arith.index_cast %add3A_42 : i32 to index
      %get3A_45 = tpu.vector_load %arg6[%get3A_43, %get3A_44] {strides = array<i32>} : memref<2x10496xi32, #tpu.memory_space<vmem>>, vector<16xi32>,
      %mul3A_46 = arith.constant 32 : i32
      %mul3A_47 = arith.muli %add3A_38, %mul3A_46 : i32
      %add3A_48 = arith.constant 0 : i32
      %add3A_49 = arith.addi %mul3A_47, %add3A_48 : i32
      %get3A_50 = arith.constant 1 : i32
      %get3A_51 = arith.index_cast %get3A_50 : i32 to index
      %get3A_52 = arith.index_cast %add3A_49 : i32 to index
      %get3A_53 = tpu.vector_load %arg6[%get3A_51, %get3A_52] {strides = array<i32>} : memref<2x10496xi32, #tpu.memory_space<vmem>>, vector<16xi32>,
      tpu.vector_store_idx %arg8[%get3A_45], %broadcast_in_dim3A_3 {add = true} : memref<10240xf32, #tpu.memory_space<vmem>>[vector<16xi32>], vector<16xf32>,
      tpu.vector_store_idx %arg9[%get3A_53], %broadcast_in_dim3A_3 {add = true} : memref<10240xf32, #tpu.memory_space<vmem>>[vector<16xi32>], vector<16xf32>,
      %shift_left3A = arith.shli %get3A_53, %broadcast_in_dim3A_5 : vector<16xi32>
      %or3A = arith.ori %get3A_45, %shift_left3A : vector<16xi32>
      %mul3A_54 = arith.constant 32 : i32
      %mul3A_55 = arith.muli %add3A_38, %mul3A_54 : i32
      %add3A_56 = arith.constant 0 : i32
      %add3A_57 = arith.addi %mul3A_55, %add3A_56 : i32
      %swap3A = arith.index_cast %add3A_57 : i32 to index
      %swap3A_58 = tpu.vector_load %arg7[%swap3A] {strides = array<i32>} : memref<10496xi32, #tpu.memory_space<vmem>>, vector<16xi32>,
      tpu.vector_store %arg7[%swap3A], %or3A {strides = array<i32>} : memref<10496xi32, #tpu.memory_space<vmem>>, vector<16xi32>,
      %mul3A_59 = arith.constant 32 : i32
      %mul3A_60 = arith.muli %add3A_38, %mul3A_59 : i32
      %add3A_61 = arith.constant 16 : i32
      %add3A_62 = arith.addi %mul3A_60, %add3A_61 : i32
      %get3A_63 = arith.constant 0 : i32
      %get3A_64 = arith.index_cast %get3A_63 : i32 to index
      %get3A_65 = arith.index_cast %add3A_62 : i32 to index
      %get3A_66 = tpu.vector_load %arg6[%get3A_64, %get3A_65] {strides = array<i32>} : memref<2x10496xi32, #tpu.memory_space<vmem>>, vector<16xi32>,
      %mul3A_67 = arith.constant 32 : i32
      %mul3A_68 = arith.muli %add3A_38, %mul3A_67 : i32
      %add3A_69 = arith.constant 16 : i32
      %add3A_70 = arith.addi %mul3A_68, %add3A_69 : i32
      %get3A_71 = arith.constant 1 : i32
      %get3A_72 = arith.index_cast %get3A_71 : i32 to index
      %get3A_73 = arith.index_cast %add3A_70 : i32 to index
      %get3A_74 = tpu.vector_load %arg6[%get3A_72, %get3A_73] {strides = array<i32>} : memref<2x10496xi32, #tpu.memory_space<vmem>>, vector<16xi32>,
      tpu.vector_store_idx %arg8[%get3A_66], %broadcast_in_dim3A_3 {add = true} : memref<10240xf32, #tpu.memory_space<vmem>>[vector<16xi32>], vector<16xf32>,
      tpu.vector_store_idx %arg9[%get3A_74], %broadcast_in_dim3A_3 {add = true} : memref<10240xf32, #tpu.memory_space<vmem>>[vector<16xi32>], vector<16xf32>,
      %shift_left3A_75 = arith.shli %get3A_74, %broadcast_in_dim3A_5 : vector<16xi32>
      %or3A_76 = arith.ori %get3A_66, %shift_left3A_75 : vector<16xi32>
      %mul3A_77 = arith.constant 32 : i32
      %mul3A_78 = arith.muli %add3A_38, %mul3A_77 : i32
      %add3A_79 = arith.constant 16 : i32
      %add3A_80 = arith.addi %mul3A_78, %add3A_79 : i32
      %swap3A_81 = arith.index_cast %add3A_80 : i32 to index
      %swap3A_82 = tpu.vector_load %arg7[%swap3A_81] {strides = array<i32>} : memref<10496xi32, #tpu.memory_space<vmem>>, vector<16xi32>,
      tpu.vector_store %arg7[%swap3A_81], %or3A_76 {strides = array<i32>} : memref<10496xi32, #tpu.memory_space<vmem>>, vector<16xi32>,
    }
    "tpu.region"() ({
      %run_scoped3A = tpu.sem_alloc : memref<!tpu.dma_semaphore, #tpu.memory_space<semaphore_mem>>
      %dma_start3A_36 = arith.constant 0 : i32
      %dma_start3A_37 = tpu.memref_slice %arg5[%add3A, %dma_start3A_36] : memref<32x10496xi32, #tpu.memory_space<hbm>> -> memref<1x10496xi32, #tpu.memory_space<hbm>>
      %dma_start3A_38 = tpu.memref_squeeze %dma_start3A_37 : memref<1x10496xi32, #tpu.memory_space<hbm>> -> memref<10496xi32, #tpu.memory_space<hbm>>
      %dma_start3A_39 = arith.constant 0 : i32
      %dma_start3A_40 = tpu.memref_slice %arg5[%add3A, %dma_start3A_39] : memref<32x10496xi32, #tpu.memory_space<hbm>> -> memref<1x10496xi32, #tpu.memory_space<hbm>>
      %dma_start3A_41 = tpu.memref_squeeze %dma_start3A_40 : memref<1x10496xi32, #tpu.memory_space<hbm>> -> memref<10496xi32, #tpu.memory_space<hbm>>
      tpu.enqueue_dma source(%arg7 : memref<10496xi32, #tpu.memory_space<vmem>>) target(%dma_start3A_41 : memref<10496xi32, #tpu.memory_space<hbm>>) target_semaphore(%run_scoped3A : memref<!tpu.dma_semaphore, #tpu.memory_space<semaphore_mem>>)
      %dma_wait3A_42 = arith.constant 0 : i32
      %dma_wait3A_43 = tpu.memref_slice %arg5[%add3A, %dma_wait3A_42] : memref<32x10496xi32, #tpu.memory_space<hbm>> -> memref<1x10496xi32, #tpu.memory_space<hbm>>
      %dma_wait3A_44 = tpu.memref_squeeze %dma_wait3A_43 : memref<1x10496xi32, #tpu.memory_space<hbm>> -> memref<10496xi32, #tpu.memory_space<hbm>>
      %dma_wait3A_45 = arith.constant 0 : i32
      %dma_wait3A_46 = tpu.memref_slice %arg5[%add3A, %dma_wait3A_45] : memref<32x10496xi32, #tpu.memory_space<hbm>> -> memref<1x10496xi32, #tpu.memory_space<hbm>>
      %dma_wait3A_47 = tpu.memref_squeeze %dma_wait3A_46 : memref<1x10496xi32, #tpu.memory_space<hbm>> -> memref<10496xi32, #tpu.memory_space<hbm>>
      tpu.wait_dma2 semaphore(%run_scoped3A : memref<!tpu.dma_semaphore, #tpu.memory_space<semaphore_mem>>) src(%arg7 : memref<10496xi32, #tpu.memory_space<vmem>>) dst(%dma_wait3A_47 : memref<10496xi32, #tpu.memory_space<hbm>>)
      tpu.yield
    }) : () -> ()
    "tpu.region"() ({
      %run_scoped3A = tpu.sem_alloc : memref<!tpu.dma_semaphore, #tpu.memory_space<semaphore_mem>>
      %dma_start3A_36 = arith.constant 0 : i32
      %dma_start3A_37 = tpu.memref_slice %arg3[%add3A, %dma_start3A_36] : memref<32x10240xf32, #tpu.memory_space<hbm>> -> memref<1x10240xf32, #tpu.memory_space<hbm>>
      %dma_start3A_38 = tpu.memref_squeeze %dma_start3A_37 : memref<1x10240xf32, #tpu.memory_space<hbm>> -> memref<10240xf32, #tpu.memory_space<hbm>>
      %dma_start3A_39 = arith.constant 0 : i32
      %dma_start3A_40 = tpu.memref_slice %arg3[%add3A, %dma_start3A_39] : memref<32x10240xf32, #tpu.memory_space<hbm>> -> memref<1x10240xf32, #tpu.memory_space<hbm>>
      %dma_start3A_41 = tpu.memref_squeeze %dma_start3A_40 : memref<1x10240xf32, #tpu.memory_space<hbm>> -> memref<10240xf32, #tpu.memory_space<hbm>>
      tpu.enqueue_dma source(%arg8 : memref<10240xf32, #tpu.memory_space<vmem>>) target(%dma_start3A_41 : memref<10240xf32, #tpu.memory_space<hbm>>) target_semaphore(%run_scoped3A : memref<!tpu.dma_semaphore, #tpu.memory_space<semaphore_mem>>)
      %dma_wait3A_42 = arith.constant 0 : i32
      %dma_wait3A_43 = tpu.memref_slice %arg3[%add3A, %dma_wait3A_42] : memref<32x10240xf32, #tpu.memory_space<hbm>> -> memref<1x10240xf32, #tpu.memory_space<hbm>>
      %dma_wait3A_44 = tpu.memref_squeeze %dma_wait3A_43 : memref<1x10240xf32, #tpu.memory_space<hbm>> -> memref<10240xf32, #tpu.memory_space<hbm>>
      %dma_wait3A_45 = arith.constant 0 : i32
      %dma_wait3A_46 = tpu.memref_slice %arg3[%add3A, %dma_wait3A_45] : memref<32x10240xf32, #tpu.memory_space<hbm>> -> memref<1x10240xf32, #tpu.memory_space<hbm>>
      %dma_wait3A_47 = tpu.memref_squeeze %dma_wait3A_46 : memref<1x10240xf32, #tpu.memory_space<hbm>> -> memref<10240xf32, #tpu.memory_space<hbm>>
      tpu.wait_dma2 semaphore(%run_scoped3A : memref<!tpu.dma_semaphore, #tpu.memory_space<semaphore_mem>>) src(%arg8 : memref<10240xf32, #tpu.memory_space<vmem>>) dst(%dma_wait3A_47 : memref<10240xf32, #tpu.memory_space<hbm>>)
      tpu.yield
    }) : () -> ()
    "tpu.region"() ({
      %run_scoped3A = tpu.sem_alloc : memref<!tpu.dma_semaphore, #tpu.memory_space<semaphore_mem>>
      %dma_start3A_36 = arith.constant 0 : i32
      %dma_start3A_37 = tpu.memref_slice %arg4[%add3A, %dma_start3A_36] : memref<32x10240xf32, #tpu.memory_space<hbm>> -> memref<1x10240xf32, #tpu.memory_space<hbm>>
      %dma_start3A_38 = tpu.memref_squeeze %dma_start3A_37 : memref<1x10240xf32, #tpu.memory_space<hbm>> -> memref<10240xf32, #tpu.memory_space<hbm>>
      %dma_start3A_39 = arith.constant 0 : i32
      %dma_start3A_40 = tpu.memref_slice %arg4[%add3A, %dma_start3A_39] : memref<32x10240xf32, #tpu.memory_space<hbm>> -> memref<1x10240xf32, #tpu.memory_space<hbm>>
      %dma_start3A_41 = tpu.memref_squeeze %dma_start3A_40 : memref<1x10240xf32, #tpu.memory_space<hbm>> -> memref<10240xf32, #tpu.memory_space<hbm>>
      tpu.enqueue_dma source(%arg9 : memref<10240xf32, #tpu.memory_space<vmem>>) target(%dma_start3A_41 : memref<10240xf32, #tpu.memory_space<hbm>>) target_semaphore(%run_scoped3A : memref<!tpu.dma_semaphore, #tpu.memory_space<semaphore_mem>>)
      %dma_wait3A_42 = arith.constant 0 : i32
      %dma_wait3A_43 = tpu.memref_slice %arg4[%add3A, %dma_wait3A_42] : memref<32x10240xf32, #tpu.memory_space<hbm>> -> memref<1x10240xf32, #tpu.memory_space<hbm>>
      %dma_wait3A_44 = tpu.memref_squeeze %dma_wait3A_43 : memref<1x10240xf32, #tpu.memory_space<hbm>> -> memref<10240xf32, #tpu.memory_space<hbm>>
      %dma_wait3A_45 = arith.constant 0 : i32
      %dma_wait3A_46 = tpu.memref_slice %arg4[%add3A, %dma_wait3A_45] : memref<32x10240xf32, #tpu.memory_space<hbm>> -> memref<1x10240xf32, #tpu.memory_space<hbm>>
      %dma_wait3A_47 = tpu.memref_squeeze %dma_wait3A_46 : memref<1x10240xf32, #tpu.memory_space<hbm>> -> memref<10240xf32, #tpu.memory_space<hbm>>
      tpu.wait_dma2 semaphore(%run_scoped3A : memref<!tpu.dma_semaphore, #tpu.memory_space<semaphore_mem>>) src(%arg9 : memref<10240xf32, #tpu.memory_space<vmem>>) dst(%dma_wait3A_47 : memref<10240xf32, #tpu.memory_space<hbm>>)
      tpu.yield
    }) : () -> ()
    return
  }
}

</mosaic_0001>

<sc_bundles>
// kernel: _sc_hist.3.cloned.1.call-start
scs
__scs_entry_jumppad:
0x0: {  	(pc) =	sbr.rel $0x88, $3  }
0x1: {  	(tag) =	ssettag $0x0;
	lr =	simm.s32 $0x1  }
0x2: {  	[smem:$0x3FA0] =	sst lr;
	_ =	strace $0xD0000000  }
0x3: {  	_ = 	snop  }
0x4: {  	_ = 	snop  }
0x5: {  	_ = 	snop  }
0x6: {  	_ = 	snop  }
0x7: {  	_ = 	snop  }
__scs_overlays_trampoline_lowered:
0x8: {  	[smem:$0x3FAF] =	sst s0  }
0x9: {  	[smem:$0x3FB0] =	sst s1  }
0xa: {  	[smem:$0x3FB1] =	sst s2  }
0xb: {  	[smem:$0x3FB2] =	sst s3  }
0xc: {  	[smem:$0x3FB3] =	sst s4  }
0xd: {  	[smem:$0x3FB4] =	sst s5  }
0xe: {  	[smem:$0x3FB5] =	sst s6  }
0xf: {  	[smem:$0x3FB6] =	sst s7  }
0x10: {  	[smem:$0x3FB7] =	sst s8  }
0x11: {  	[smem:$0x3FB8] =	sst s9;
	s0 =	simm.s32 @!p0 $0x0  }
0x12: {  	s1 =	sld [smem:$0x3F9E];
	s0 =	simm.s32 @p0 $0x1  }
0x13: {  	[smem:$0x3FB9] =	sst s0;
	s0 =	simm.s32 @!p1 $0x0  }
0x14: {  	s2 =	sld [smem:$0x3F9D];
	s0 =	simm.s32 @p1 $0x1  }
0x15: {  	[smem:$0x3FBA] =	sst s0;
	s0 =	simm.s32 @!p2 $0x0  }
0x16: {  	s3 =	sld [smem:$0x3FDB];
	s0 =	simm.s32 @p2 $0x1  }
0x17: {  	s4 =	simm.s32 $0x1BF5;
	[smem:$0x3FBC] =	sst s0  }
0x18: {  	s0 =	sld [smem:$0x3F9F];
	_ =	swait.ge [sflag:s4], $0x0  }
0x19: {  	s7 =	sld [smem:$0x3FA0]  }
0x1a: {  	s8 =	sadd.s32 $0xFFFFE003, lr  }
0x1b: {  	s9 =	sadd.s32 $0xFFFFFEF7, lr;
	s5 =	simm.s32 $0xFFFFFFFF;
	p2 =	slt.u32 s8, $0xFFFFF086  }
0x1c: {  	p1 =	slt.u32 s9, $0xF7A;
	s5 =	simm.s32 @!p2 $0x0  }
0x1d: {  	s5 =	simm.s32 @p1 $0x1;
	p0 =	seq.s32 s7, s2  }
0x1e: {  	s7 =	smul.u32 @!p0 $0xF7A, s2;
	p2 =	seq.s32 @!p0 s5, $0x0  }
0x1f: {  	s9 =	smul.u32 $0xF7A, s1;
	s8 =	simm.s32 @!p0 $0x1BF5;
	p2 =	por !p2, p0  }
0x20: {  	[sflag:s8] =	ssyncset.s32 @!p0 $0xFFFFF086;
	s6 =	sadd.s32 @!p0 s3, s7;
	s7 =	simm.s32 @!p0 $0x108  }
0x21: {  	s3 =	sadd.s32 s3, s9;
	s6 =	sadd.s32 @!p0 $0x88, s6;
	s7 =	simm.s32 @p2 $0x1082  }
0x22: {  	[simem:s7], [sflag:s8] =	dma.local @!p0 [hbm:s6], $0xF7A  }
0x23: {  	s9 =	sor.u32 $0xD0000000, s2;
	s6 =	simm.s32 $0x108;
	_ =	swait.ge @!p0 [sflag:s8], $0x0  }
0x24: {  	s3 =	sadd.s32 $0x88, s3;
	s6 =	simm.s32 @!p1 $0x1082;
	[sflag:s4] =	ssyncset.s32 $0xFFFFF086  }
0x25: {  	[simem:s6], [sflag:s4] =	dma.local [hbm:s3], $0xF7A  }
0x26: {  	[smem:$0x3FA0] =	sst s1;
	(tag) =	ssettag s2;
	_ =	strace s9  }
0x27: {  	s1 =	sld [smem:$0x3FB0]  }
0x28: {  	s2 =	sld [smem:$0x3FB1]  }
0x29: {  	s4 =	sld [smem:$0x3FB3]  }
0x2a: {  	p0 =	seq.s32 s5, $0x0;
	s5 =	sld [smem:$0x3FB4]  }
0x2b: {  	s6 =	sld [smem:$0x3FB5]  }
0x2c: {  	s7 =	sld [smem:$0x3FB6]  }
0x2d: {  	s3 =	simm.s32 $0x108;
	s8 =	sld [smem:$0x3FB7]  }
0x2e: {  	s3 =	simm.s32 @!p0 $0x1082;
	s9 =	sld [smem:$0x3FB8]  }
0x2f: {  	lr =	sadd.s32 s0, s3;
	s0 =	sld [smem:$0x3FAF]  }
0x30: {  	s3 =	sld [smem:$0x3FB2]  }
0x31: {  	[smem:$0x3FBB] =	sst s10  }
0x32: {  	s10 =	sld [smem:$0x3FB9];
	_ =	sdelay $0x3  }
0x33: {  	p0 =	seq.s32 s10, $0x1;
	s10 =	sld [smem:$0x3FBB];
	_ =	sdelay $0x3  }
0x34: {  	[smem:$0x3FBB] =	sst s10  }
0x35: {  	s10 =	sld [smem:$0x3FBA];
	_ =	sdelay $0x3  }
0x36: {  	p1 =	seq.s32 s10, $0x1;
	s10 =	sld [smem:$0x3FBB];
	_ =	sdelay $0x3  }
0x37: {  	[smem:$0x3FBB] =	sst s10  }
0x38: {  	s10 =	sld [smem:$0x3FBC]  }
0x39: {  	_ = 	snop;
	(pc) =	sbr.ind lr, $3  }
0x3a: {  	_ = 	snop  }
0x3b: {  	_ = 	snop  }
0x3c: {  	p2 =	seq.s32 s10, $0x1;
	s10 =	sld [smem:$0x3FBB]  }
0x3d: {  	_ =	shalt  }
0x3e: {  	_ =	shalt  }
0x3f: {  	_ =	shalt  }
0x40: {  	_ =	shalt  }
0x41: {  	_ =	shalt  }
0x42: {  	_ =	shalt  }
0x43: {  	_ =	shalt  }
0x44: {  	_ =	shalt  }
0x45: {  	_ =	shalt  }
0x46: {  	_ =	shalt  }
0x47: {  	_ =	shalt  }
0x48: {  	_ =	shalt  }
0x49: {  	_ =	shalt  }
0x4a: {  	_ =	shalt  }
0x4b: {  	_ =	shalt  }
0x4c: {  	_ =	shalt  }
0x4d: {  	_ =	shalt  }
0x4e: {  	_ =	shalt  }
0x4f: {  	_ =	shalt  }
0x50: {  	_ =	shalt  }
0x51: {  	_ =	shalt  }
0x52: {  	_ =	shalt  }
0x53: {  	_ =	shalt  }
0x54: {  	_ =	shalt  }
0x55: {  	_ =	shalt  }
0x56: {  	_ =	shalt  }
0x57: {  	_ =	shalt  }
0x58: {  	_ =	shalt  }
0x59: {  	_ =	shalt  }
0x5a: {  	_ =	shalt  }
0x5b: {  	_ =	shalt  }
0x5c: {  	_ =	shalt  }
0x5d: {  	_ =	shalt  }
0x5e: {  	_ =	shalt  }
0x5f: {  	_ =	shalt  }
0x60: {  	_ =	shalt  }
0x61: {  	_ =	shalt  }
0x62: {  	_ =	shalt  }
0x63: {  	_ =	shalt  }
0x64: {  	_ =	shalt  }
0x65: {  	_ =	shalt  }
0x66: {  	_ =	shalt  }
0x67: {  	_ =	shalt  }
0x68: {  	_ =	shalt  }
0x69: {  	_ =	shalt  }
0x6a: {  	_ =	shalt  }
0x6b: {  	_ =	shalt  }
0x6c: {  	_ =	shalt  }
0x6d: {  	_ =	shalt  }
0x6e: {  	_ =	shalt  }
0x6f: {  	_ =	shalt  }
0x70: {  	_ =	shalt  }
0x71: {  	_ =	shalt  }
0x72: {  	_ =	shalt  }
0x73: {  	_ =	shalt  }
0x74: {  	_ =	shalt  }
0x75: {  	_ =	shalt  }
0x76: {  	_ =	shalt  }
0x77: {  	_ =	shalt  }
0x78: {  	_ =	shalt  }
0x79: {  	_ =	shalt  }
0x7a: {  	_ =	shalt  }
0x7b: {  	_ =	shalt  }
0x7c: {  	_ =	shalt  }
0x7d: {  	_ =	shalt  }
0x7e: {  	_ =	shalt  }
0x7f: {  	_ =	shalt  }
0x80: {  	_ =	shalt  }
0x81: {  	_ =	shalt  }
0x82: {  	_ =	shalt  }
0x83: {  	_ =	shalt  }
0x84: {  	_ =	shalt  }
0x85: {  	_ =	shalt  }
0x86: {  	_ =	shalt  }
0x87: {  	_ =	shalt  }
.Lfunc_end0:
.L_simem_size_0:
called_computation_lowered:
.L_overlay_start_0:
0x88: {  	s2 =	sld [smem:$0x3FD9]  }
0x89: {  	s3 =	sld [smem:$0x3FFE];
	_ =	sdelay $0x1  }
0x8a: {  	s1 =	srdreg.scid  }
0x8b: {  	s0 =	sand.u32 $0x1, s1  }
0x8c: {  	s15 =	sshll.u32 s0, $0xA;
	s2 =	sadd.s32 s3, s2  }
0x8d: {  	s2 =	sadd.s32 s2, s15  }
0x8e: {  	[smem:$0x3FC7] =	sst s2  }
0x8f: {  	_ = 	snop  }
0x90: {  	s2 =	sld [smem:$0x3FD0];
	_ =	sdelay $0x2  }
0x91: {  	s4 =	simm.s32 $0xA;
	s5 =	simm.s32 $0x10;
	s16 =	sld [smem:$0x3FC9]  }
0x92: {  	[smem:s5], [sflag:s4] =	dma.local [hbm:s2], $0x1  }
0x93: {  	_ =	swait.eq [sflag:s4], $0x1  }
0x94: {  	s17 =	sld [smem:$0x10];
	[sflag:s4] =	ssyncset.done $0x0  }
0x95: {  	s18 =	sld [smem:$0x11];
	[sflag:s4] =	ssyncadd.s32 $0xFFFFFFFF  }
0x96: {  	s19 =	sld [smem:$0x12];
	(tm) =	ssettm $0x1  }
0x97: {  	s6 =	sld [smem:$0x3FFB];
	_ =	sdelay $0x3  }
0x98: {  	_ =	strace s6  }
0x99: {  	s6 =	sld [smem:$0x3FFC];
	_ =	sdelay $0x3  }
0x9a: {  	_ =	strace s6  }
0x9b: {  	s6 =	sld [smem:$0x3FFD];
	_ =	sdelay $0x3  }
0x9c: {  	_ =	strace s6  }
0x9d: {  	_ =	strace $0x8FFFFFFF  }
0x9e: {  	s20 =	sld [smem:$0x3FDB];
	_ =	sdelay $0x1  }
0x9f: {  	s7 =	simm.s32 $_scs_section_size  }
0xa0: {  	s8 =	simm.s32 $_size__tile_overlayer_lowered;
	s9 =	simm.s32 $_tile_overlayer_lowered  }
0xa1: {  	s23 =	simm.s32 $0x1BFF;
	s22 =	sshll.u32 s9, $0x1;
	s6 =	sadd.s32 s7, s20  }
0xa2: {  	s10 =	simm.s32 $0x0;
	s21 =	sshll.u32 s8, $0x1;
	s8 =	sadd.s32 s22, s6  }
0xa3: {  	[timem:s10], [sflag:s23] =	dma.local [hbm:s8], s21  }
0xa4: {  	_ =	swait.ge [sflag:s23], s21  }
0xa5: {  	s7 =	ssub.s32 $0x0, s21;
	[sflag:s23] =	ssyncset.done $0x0  }
0xa6: {  	[sflag:s23] =	ssyncadd.s32 s7;
	_ =	sdelay $0x1  }
0xa7: {  	s24 =	simm.s32 $0x1B8B  }
0xa8: {  	_ =	swait.ge [sflag:s24], $0x1  }
0xa9: {  	[sflag:s24] =	ssyncset.done $0x0  }
0xaa: {  	s25 =	simm.s32 $0x1B8E;
	[sflag:s24] =	ssyncadd.s32 $0xFFFFFFFF  }
0xab: {  	s26 =	simm.s32 $execute0_lowered;
	[smem:$0x3FD2] =	sst s25  }
0xac: {  	s7 =	sshll.u32 s26, $0x1;
	_ =	strace $0x80000046;
	[dreg:$0x1] =	wrdreg $0xFFFFFFFF  }
0xad: {  	s28 =	simm.s32 $_size_execute0_lowered;
	s6 =	sadd.s32 s6, s7;
	[dreg:$0x0] =	wrdreg $0x0  }
0xae: {  	s7 =	sshll.u32 s28, $0x1;
	[dreg:$0x2] =	wrdreg s6  }
0xaf: {  	[dreg:$0x3] =	wrdreg s7  }
0xb0: {  	[dreg:$0x4] =	wrdreg $0xC0  }
0xb1: {  	_ =	task [dreg:s10], $0x5FFFF  }
0xb2: {  	[dreg:$0x1] =	wrdreg $0xFFFFFFFF  }
0xb3: {  	[dreg:$0x0] =	wrdreg $0x60  }
0xb4: {  	[dreg:$0x2] =	wrdreg s16  }
0xb5: {  	[dreg:$0x3] =	wrdreg s17  }
0xb6: {  	[dreg:$0x4] =	wrdreg s18  }
0xb7: {  	[dreg:$0x5] =	wrdreg s19  }
0xb8: {  	[dreg:$0x6] =	wrdreg $0x9  }
0xb9: {  	_ =	task.clear_ibuf [dreg:s10], $0x7FFFF;
	_ =	strace $0x90000046  }
0xba: {  	s29 =	simm.s32 $0x9;
	_ =	strace $0x80000048  }
0xbb: {  	_ =	swait.ge [sflag:s29], $0x1  }
0xbc: {  	[sflag:s29] =	ssyncadd.s32 $0xFFFFFFFF  }
0xbd: {  	_ =	strace $0x90000048  }
0xbe: {  	_ =	sfence  }
0xbf: {  	s30 =	sld [smem:$0x0];
	_ =	sdelay $0x2  }
0xc0: {  	s31 =	sshll.u32 s1, $0xD;
	s1 =	sshrl.u32 s1, $0x2  }
0xc1: {  	s3 =	sand.u32 $0x4000, s31;
	s1 =	sadd.s32 s1, s30  }
0xc2: {  	s0 =	sor.u32 s3, s0;
	s1 =	sshll.u32 s1, $0x11  }
0xc3: {  	s0 =	sor.u32 s1, s0  }
0xc4: {  	s0 =	sadd.s32 $0x8F2B, s0  }
0xc5: {  	[sflag:s0] =	ssyncadd.remote.s32 $0x1  }
0xc6: {  	_ =	sfence.sel $0xFFFF  }
0xc7: {  	[dreg:$0x0] =	wrdreg $0xFFFFFFFF;
	(pc) =	sbr.abs _section_cstart, $3  }
0xc8: {  	[dreg:$0x1] =	wrdreg $0xFFFFFFFF  }
0xc9: {  	_ =	task.clear_ibuf [dreg:s10], $0x2FFFF;
	_ =	strace $0x9FFFFFFF  }
0xca: {  	(tm) =	ssettm $0x7FFFFFFF  }
0xcb: {  	_ =	shalt  }
tec
execute0_lowered:
.L_overlay_start_1:
0x0: {  	(tag) =	ssettag $0x1  }
0x1: {  	s3 =	rddreg [dreg:$0x0]  }
0x2: {  	s6 =	rddreg [dreg:$0x1]  }
0x3: {  	s7 =	rddreg [dreg:$0x2]  }
0x4: {  	s5 =	rddreg [dreg:$0x3]  }
0x5: {  	s0 =	rddreg [dreg:$0x4];
	s4 =	srdreg.scid  }
0x6: {  	s1 =	stileid.u32;
	s2 =	simm.s32 $0x0;
	s13 =	simm.s32 $0x400  }
0x7: {  	s14 =	simm.s32 $0x5200;
	s15 =	simm.s32 $0x2;
	s16 =	simm.s32 $0x0  }
0x8: {  	s4 =	sand.u32 $0x1, s4;
	s8 =	sshll.u32 s1, $0x1;
	s10 =	sshrl.u32 s1, $0x2  }
0x9: {  	[smem:$0x7FF] =	sst s2;
	s8 =	sor.u32 s4, s8;
	s12 =	smul.u32 $0x14800, s10  }
0xa: {  	s4 =	ssub.s32 $0x2, s4;
	_ =	strace $0x80000047;
	s10 =	smul.u32 $0x14000, s10  }
0xb: {  	s9 =	smul.u32 $0x9C0, s8;
	s11 =	sshrl.u32 s4, $0x1;
	s29 =	sshll.u32 s8, $0x7  }
0xc: {  	p0 =	seq.s32 s8, $0x1F;
	s11 =	ssub.s32 s4, s11;
	s30 =	sand.u32 $0x380, s29  }
0xd: {  	s4 =	simm.s32 $0x2900;
	s3 =	sadd.s32 s3, s9;
	s31 =	sor.u32 s12, s30  }
0xe: {  	s8 =	sor.u32 s10, s30;
	s4 =	simm.s32 @!p0 $0x2700;
	s10 =	simm.s32 $0x7B00  }
0xf: {  	s12 =	simm.s32 $0x80;
	s9 =	sshrl.u32 s31, $0x3;
	s8 =	sshrl.u32 s8, $0x3  }
0x10: {  	s5 =	sadd.s32 s5, s9;
	s6 =	sadd.s32 s6, s8;
	s7 =	sadd.s32 s7, s8  }
0x11: {  	v0 =	vimm.f32 $0.0e+00;
	v1 =	vimm.f32 $1.000000000e+00;
	s8 =	smax.u32 s11, $0x1;
	s9 =	simm.s32 $0x1;
	s11 =	simm.s32 $0xA300  }
.LBB2_1:
0x12: {  	[tilespmem:s2], [sflag:$0x1] =	stream.linear.gather [hbm4b:s3+s2], $0x5200, $0x38;
	[tilespmem:$0xCB00] =	vst v63  }
0x13: {  	s17 =	simm.s32 $0x0;
	s18 =	simm.s32 $0x100  }
.LBB2_2:
0x14: {  	p0 =	sne.s32 s18, $0x9F00;
	[tilespmem:s17+$0xA330] =	vst v0  }
0x15: {  	[tilespmem:s17+$0x7B00] =	vst v0  }
0x16: {  	[tilespmem:s17+$0xA300] =	vst v0  }
.Ltmp0:
0x17: {  	[tilespmem:s17+$0x7B10] =	vst v0;
	(pc) =	sbr.rel @p0 .LBB2_2-.Ltmp0, $4  }
0x18: {  	[tilespmem:s17+$0xA310] =	vst v0  }
0x19: {  	[tilespmem:s17+$0x7B20] =	vst v0  }
0x1a: {  	[tilespmem:s17+$0xA320] =	vst v0  }
0x1b: {  	[tilespmem:s17+$0x7B30] =	vst v0;
	s17 =	sshra.s32 s18, $0x2;
	s18 =	sadd.s32 $0x100, s18  }
0x1c: {  	[tilespmem:s17+$0xA330] =	vst v0  }
0x1d: {  	[tilespmem:s17+$0x7B00] =	vst v0  }
0x1e: {  	[tilespmem:s17+$0xA300] =	vst v0  }
0x1f: {  	[tilespmem:s17+$0x7B10] =	vst v0  }
0x20: {  	[tilespmem:s17+$0xA310] =	vst v0  }
0x21: {  	[tilespmem:s17+$0x7B20] =	vst v0;
	p1 =	sne.s32 s4, $0x20  }
.Ltmp1:
0x22: {  	[tilespmem:s17+$0xA320] =	vst v0;
	(pc) =	sbr.rel @!p1 .LBB2_4-.Ltmp1, $4  }
0x23: {  	[tilespmem:s17+$0x7B30] =	vst v0  }
0x24: {  	s24 =	simm.s32 $0x0;
	s17 =	simm.s32 $0x5200;
	_ =	swait.ge [sflag:s9], $0x5200  }
0x25: {  	s18 =	simm.s32 $0x20;
	p0 =	por $0x0, $0x0;
	[sflag:s9] =	ssyncset.done $0x0  }
0x26: {  	s20 =	sand.u32 $0x60, s24;
	s19 =	sand.u32 $0xFFFFFF00, s24;
	[sflag:s9] =	ssyncadd.s32 $0xFFFFAE00  }
0x27: {  	s21 =	sor.u32 s20, s19  }
0x28: {  	v2 =	vld [tilespmem:s21+$0x0]  }
0x29: {  	v3 =	vld [tilespmem:s21+$0x80];
	_ =	sdelay $0x6  }
0x2a: {  	v4 =	vshll.u32 v3, $0x10;
	[tilespmem:v2+s10+$0x0] =	vst.idx.add.f32.msk $0xffff, v1  }
0x2b: {  	s22 =	sor.u32 $0x10, s20;
	v2 =	vor.u32 v2, v4;
	[tilespmem:v3+s11+$0x0] =	vst.idx.add.f32.msk $0xffff, v1  }
0x2c: {  	s31 =	sor.u32 s22, s19;
	[tilespmem:s17+$0x0] =	vst v2  }
0x2d: {  	v2 =	vld [tilespmem:s31+$0x0]  }
0x2e: {  	v3 =	vld [tilespmem:s31+$0x80];
	_ =	sdelay $0x2  }
0x2f: {  	p1 =	sne.s32 s4, $0x40  }
.Ltmp2:
0x30: {  	_ = 	snop;
	(pc) =	sbr.rel @!p1 .LBB2_6-.Ltmp2, $4  }
0x31: {  	_ = 	snop  }
0x32: {  	s23 =	simm.s32 $0x40;
	s24 =	sand.u32 $0xFFFFFF80, s24  }
0x33: {  	s20 =	sand.u32 $0x60, s18;
	p0 =	por $0x1, $0x1;
	s21 =	simm.s32 $0x40;
	v63 =	vshll.u32 v3, $0x10;
	[tilespmem:v2+s10+$0x0] =	vst.idx.add.f32.msk $0xffff, v1  }
0x34: {  	s19 =	sand.u32 $0xFFFFFF00, s23;
	s25 =	sor.u32 s22, s24;
	s22 =	simm.s32 $0x5200;
	v2 =	vor.u32 v2, v63;
	[tilespmem:v3+s11+$0x0] =	vst.idx.add.f32.msk $0xffff, v1  }
.LBB2_7:
0x35: {  	s24 =	sor.u32 s20, s19  }
0x36: {  	[tilespmem:s25+$0x5200] =	vst v2;
	s22 =	sadd.s32 $0x20, s22;
	s25 =	smov.u32 s21;
	s21 =	sadd.s32 $0x20, s21  }
0x37: {  	p1 =	sne.s32 s4, s21;
	v2 =	vld [tilespmem:s24+$0x0]  }
0x38: {  	v3 =	vld [tilespmem:s24+$0x80];
	_ =	sdelay $0x4  }
0x39: {  	v4 =	vshll.u32 v3, $0x10  }
0x3a: {  	v4 =	vor.u32 v2, v4  }
0x3b: {  	[tilespmem:v2+s10+$0x0] =	vst.idx.add.f32.msk $0xffff, v1  }
0x3c: {  	s24 =	sor.u32 $0x10, s20;
	[tilespmem:v3+s11+$0x0] =	vst.idx.add.f32.msk $0xffff, v1  }
0x3d: {  	s19 =	sor.u32 s24, s19;
	[tilespmem:s22+$0x0] =	vst v4  }
0x3e: {  	v3 =	vld [tilespmem:s19+$0x0]  }
0x3f: {  	v4 =	vld [tilespmem:s19+$0x80];
	_ =	sdelay $0x3  }
.Ltmp3:
0x40: {  	(pc) =	sbr.rel @p1 .LBB2_7-.Ltmp3, $4  }
0x41: {  	v2 =	vshll.u32 v4, $0x10  }
0x42: {  	v2 =	vor.u32 v3, v2  }
0x43: {  	s26 =	sand.u32 $0xFFFFFF80, s18;
	s23 =	sadd.s32 $0x40, s23;
	s18 =	smov.u32 s25;
	[tilespmem:v3+s10+$0x0] =	vst.idx.add.f32.msk $0xffff, v1  }
0x44: {  	s20 =	sand.u32 $0x60, s18;
	s25 =	sor.u32 s24, s26;
	s19 =	sand.u32 $0xFFFFFF00, s23;
	[tilespmem:v4+s11+$0x0] =	vst.idx.add.f32.msk $0xffff, v1  }
0x45: {  	s24 =	smov.u32 s18  }
.LBB2_9:
0x46: {  	s18 =	sor.u32 s20, s19;
	[tilespmem:s25+$0x5200] =	vst @p0 v2  }
0x47: {  	v2 =	vld [tilespmem:s18+$0x0]  }
0x48: {  	v3 =	vld [tilespmem:s18+$0x80];
	_ =	sdelay $0x6  }
0x49: {  	s18 =	sadd.s32 @p0 $0x20, s22;
	v4 =	vshll.u32 v3, $0x10;
	[tilespmem:v2+s10+$0x0] =	vst.idx.add.f32.msk $0xffff, v1  }
0x4a: {  	s29 =	sor.u32 $0x10, s20;
	s17 =	smov.u32 @p0 s18;
	v2 =	vor.u32 v2, v4;
	[tilespmem:v3+s11+$0x0] =	vst.idx.add.f32.msk $0xffff, v1  }
0x4b: {  	s30 =	sor.u32 s29, s19;
	[tilespmem:s17+$0x0] =	vst v2  }
0x4c: {  	v2 =	vld [tilespmem:s30+$0x0]  }
0x4d: {  	v3 =	vld [tilespmem:s30+$0x80];
	_ =	sdelay $0x6  }
0x4e: {  	s31 =	sand.u32 $0xFFFFFF80, s24;
	v63 =	vshll.u32 v3, $0x10;
	[tilespmem:v2+s10+$0x0] =	vst.idx.add.f32.msk $0xffff, v1  }
0x4f: {  	s17 =	sor.u32 s29, s31;
	v2 =	vor.u32 v2, v63;
	[tilespmem:v3+s11+$0x0] =	vst.idx.add.f32.msk $0xffff, v1  }
0x50: {  	[tilespmem:s17+$0x5200] =	vst v2  }
0x51: {  	[hbm4b:s5+s12] =	stream.strided.scatter [tilespmem:s14], [sflag:$0x2], $0x2900, s13, s12, $0x38;
	[tilespmem:$0xCB00] =	vst v63  }
0x52: {  	_ =	swait.ge [sflag:s15], $0x2900  }
0x53: {  	[sflag:s15] =	ssyncset.done $0x0  }
0x54: {  	[sflag:s15] =	ssyncadd.s32 $0xFFFFD700  }
0x55: {  	[hbm4b:s6+s12] =	stream.strided.scatter [tilespmem:s10], [sflag:$0x2], $0x2800, s13, s12, $0x38;
	[tilespmem:$0xCB00] =	vst v63  }
0x56: {  	_ =	swait.ge [sflag:s15], $0x2800  }
0x57: {  	s16 =	sadd.s32 $0x1, s16;
	[sflag:s15] =	ssyncset.done $0x0  }
0x58: {  	p0 =	sne.s32 s16, s8;
	[sflag:s15] =	ssyncadd.s32 $0xFFFFD800  }
0x59: {  	[hbm4b:s7+s12] =	stream.strided.scatter [tilespmem:s11], [sflag:$0x2], $0x2800, s13, s12, $0x38;
	[tilespmem:$0xCB00] =	vst v63  }
.Ltmp4:
0x5a: {  	_ = 	snop;
	(pc) =	sbr.rel @p0 .LBB2_1-.Ltmp4, $4  }
.Ltmp5:
0x5b: {  	_ = 	snop;
	(pc) =	sbr.rel @!p0 .LBB2_10-.Ltmp5, $4  }
0x5c: {  	_ =	swait.ge [sflag:s15], $0x2800  }
0x5d: {  	[sflag:s15] =	ssyncset.done $0x0  }
0x5e: {  	[sflag:s15] =	ssyncadd.s32 $0xFFFFD800  }
0x5f: {  	_ = 	snop  }
.LBB2_4:
.Ltmp6:
0x60: {  	(pc) =	sbr.rel .LBB2_9-.Ltmp6, $2  }
0x61: {  	_ =	sdelay $0x2  }
0x62: {  	s22 =	simm.s32 $0x5200  }
.LBB2_6:
.Ltmp7:
0x63: {  	(pc) =	sbr.rel .LBB2_9-.Ltmp7, $2  }
0x64: {  	_ =	sdelay $0x2  }
0x65: {  	s22 =	simm.s32 $0x5200;
	s24 =	simm.s32 $0x20  }
.LBB2_10:
0x66: {  	_ =	sfence.sel $0x180000  }
0x67: {  	[bflag:$0x0] =	sbarrier.arrive $0xFFFF  }
0x68: {  	p0 =	sne.s32 s1, $0x0;
	_ =	strace $0x90000047  }
0x69: {  	s0 =	sadd.s32 @!p0 $0x100000, s0;
	[bflag:$0x2] =	sbarrier.arrive $0xFFFF  }
0x6a: {  	[sflag:s0] =	ssyncadd.tile.s32 @!p0 $0x1;
	_ =	shalt  }
.Lfunc_end2:
_tile_overlayer_lowered:
.L_overlay_start_2:
0x6b: {  	(tag) =	ssettag $0x2  }
0x6c: {  	s0 =	rddreg [dreg:$0x0];
	s2 =	stileid.u32  }
0x6d: {  	s1 =	rddreg [dreg:$0x1];
	p0 =	sne.s32 s2, $0x0  }
0x6e: {  	s3 =	rddreg [dreg:$0x2];
	[bflag:$0x3] =	sbarrier.arrive $0xFFFF;
	s2 =	simm.s32 @!p0 $0x1C02  }
0x6f: {  	[timem:s3], [sflag:s2] =	dma.local @!p0 [hbm:s0], s1  }
0x70: {  	s0 =	simm.s32 @!p0 $0x2  }
0x71: {  	_ =	swait.ge @!p0 [sflag:s0], s1  }
0x72: {  	s1 =	ssub.s32 @!p0 $0x0, s1;
	[sflag:s0] =	ssyncset.done @!p0 $0x0  }
0x73: {  	[sflag:s0] =	ssyncadd.s32 @!p0 s1  }
0x74: {  	[bflag:$0x3] =	sbarrier.arrive $0xFFFF  }
0x75: {  	_ =	shalt  }

</sc_bundles>
